<compile_context>
chip_gen: v7x
topology: tpu7x:2x2x1
jax: 0.10.2.dev20260603
libtpu: 0.0.44.dev20260713+nightly
codegen_flags: <defaults>
</compile_context>

<pallas_src>
import functools

import jax
import jax.numpy as jnp
from jax import lax
from jax.experimental import pallas as pl
from jax.experimental.pallas import tpu as pltpu
from jax.experimental.pallas import tpu_sc as plsc

B, S, D = 4096, 50, 128
V, C = 1000000, 1000

NC, NS = 2, 16
NW = NC * NS
BAGS_W = B // NW
CHUNK = 128


def _pool_sc(emb_table, enc3, bag_idx, zeros):
    mesh = plsc.VectorSubcoreMesh(core_axis_name="c", subcore_axis_name="s")

    @functools.partial(
        pl.kernel,
        out_type=jax.ShapeDtypeStruct((NW, BAGS_W, D), jnp.float32),
        mesh=mesh,
        scratch_types=[
            pltpu.VMEM((S, CHUNK), jnp.int32),
            pltpu.VMEM((1, CHUNK), jnp.int32),
            pltpu.VMEM((2, CHUNK, D), jnp.float32),
            pltpu.VMEM_SHARED((NS * BAGS_W, D), jnp.float32),
            pltpu.SemaphoreType.DMA,
            pltpu.SemaphoreType.DMA,
        ],
    )
    def k(table_hbm, enc_hbm, bag_hbm, zero_hbm, out_hbm,
          idx_v, bag_v, rows_v, pooled_sh, sem0, sem1):
        sid = lax.axis_index("s")
        wid = sid * NC + lax.axis_index("c")
        pltpu.sync_copy(enc_hbm.at[:, wid], idx_v)
        pltpu.sync_copy(bag_hbm.at[pl.ds(sid, 1)], bag_v)
        pltpu.sync_copy(zero_hbm, pooled_sh.at[pl.ds(sid * BAGS_W, BAGS_W)])
        sems = (sem0, sem1)

        def start(c, b):
            pltpu.async_copy(table_hbm.at[idx_v.at[c]], rows_v.at[b], sems[b])

        def finish(c, b):
            pltpu.make_async_copy(table_hbm.at[idx_v.at[c]], rows_v.at[b],
                                  sems[b]).wait()
            pltpu.sync_copy(rows_v.at[b], pooled_sh.at[bag_v.at[0]], add=True)

        start(0, 0)
        start(1, 1)

        @pl.loop(0, S - 2, step=2)
        def _(c2):
            for b in range(2):
                finish(c2 + b, b)
                start(c2 + b + 2, b)

        for b in range(2):
            finish(S - 2 + b, b)

        pltpu.sync_copy(pooled_sh.at[pl.ds(sid * BAGS_W, BAGS_W)],
                        out_hbm.at[wid])

    return k(emb_table, enc3, bag_idx, zeros)


def _head_tc(pooled, enc_t, fc_w, fc_b_col):
    BM = 512

    def body(x_ref, enc_ref, w_ref, b_ref, out_ref):
        cnt = jnp.sum((enc_ref[...] != 0).astype(jnp.float32), axis=0,
                      keepdims=True)
        scale = 1.0 / jnp.maximum(cnt, 1.0)
        acc = lax.dot_general(
            w_ref[...], x_ref[...], (((1,), (1,)), ((), ())),
            preferred_element_type=jnp.float32)
        out_ref[...] = acc * scale + b_ref[...]

    return pl.pallas_call(
        body,
        grid=(B // BM,),
        in_specs=[
            pl.BlockSpec((BM, D), lambda i: (i, 0)),
            pl.BlockSpec((S, BM), lambda i: (0, i)),
            pl.BlockSpec((C, D), lambda i: (0, 0)),
            pl.BlockSpec((C, 1), lambda i: (0, 0)),
        ],
        out_specs=pl.BlockSpec((C, BM), lambda i: (0, i)),
        out_shape=jax.ShapeDtypeStruct((C, B), jnp.float32),
    )(pooled, enc_t, fc_w, fc_b_col)


def kernel(encoded_text, additional_inputs, emb_table, fc_w, fc_b):
    del additional_inputs
    enc_t = encoded_text.astype(jnp.int32).T
    enc3 = enc_t.reshape(S, NW, CHUNK)
    bag_idx = (jnp.arange(CHUNK, dtype=jnp.int32)[None, :] +
               BAGS_W * jnp.arange(NS, dtype=jnp.int32)[:, None])
    zeros = jnp.zeros((BAGS_W, D), jnp.float32)
    pooled = _pool_sc(emb_table, enc3, bag_idx, zeros).reshape(B, D)
    out_t = _head_tc(pooled, enc_t, fc_w, fc_b.reshape(C, 1))
    return out_t.T

# --- scband reference (transcript-rebuilt; emitter-appended) ---
"""Pipeline reference for scband-fast-text-model-28922309771876 (READ-ONLY COPY).

The authoritative reference and input builder live on the scoring server;
editing this copy changes nothing except your own understanding.
"""

import jax, jax.numpy as jnp
import numpy as np

B, S, D = 4096, 50, 128
V, C = 1000000, 1000


def setup_inputs(seed: int = 0) -> dict:
    key = jax.random.key(seed)
    k1, k2, k3, k4 = jax.random.split(key, 4)
    encoded_text = jax.random.randint(k1, (B, S), 0, V, dtype=jnp.int64 if jax.config.jax_enable_x64 else jnp.int32)
    additional_inputs = jax.random.randint(k2, (B, 1), 0, 1, dtype=jnp.int64 if jax.config.jax_enable_x64 else jnp.int32)
    emb_table = jax.random.normal(k3, (V, D), dtype=jnp.float32) * 0.02
    emb_table = emb_table.at[0].set(0.0)  # padding_idx=0 row is zeros
    fc_w = jax.random.normal(k4, (C, D), dtype=jnp.float32) * 0.02
    fc_b = jnp.zeros((C,), dtype=jnp.float32)
    return {"encoded_text": encoded_text, "additional_inputs": additional_inputs,
            "emb_table": emb_table, "fc_w": fc_w, "fc_b": fc_b}


def reference(encoded_text, additional_inputs, emb_table, fc_w, fc_b):
    # no_cat_var=True path: additional_inputs is ignored
    x_text = jnp.take(emb_table, encoded_text, axis=0)          # [B, S, D] gather
    non_zero_mask = (x_text.sum(-1) != 0).astype(jnp.float32)   # [B, S]
    token_counts = non_zero_mask.sum(-1, keepdims=True)         # [B, 1]
    x_text = (x_text * non_zero_mask[..., None]).sum(axis=1)    # [B, D]
    x_text = x_text / jnp.clip(token_counts, 1.0, None)
    x_text = jnp.nan_to_num(x_text, nan=0.0)
    out = x_text @ fc_w.T + fc_b                                # [B, C]
    return out

if __name__ == "__main__":
    import jax
    _d = setup_inputs()
    print(jax.jit(kernel)(*tuple(_d.values())))

</pallas_src>

<mosaic_0001>
#map = affine_map<(d0, d1) -> (0, 0)>
#map1 = affine_map<(d0, d1) -> (0, 0, 0)>
module attributes {stable_mosaic.version = 14 : i64} {
  func.func @k(%arg0: i32, %arg1: i32, %arg2: memref<1000000x128xf32, #tpu.memory_space<hbm>>, %arg3: memref<50x32x128xi32, #tpu.memory_space<hbm>>, %arg4: memref<16x128xi32, #tpu.memory_space<hbm>>, %arg5: memref<128x128xf32, #tpu.memory_space<hbm>>, %arg6: memref<32x128x128xf32, #tpu.memory_space<hbm>>, %arg7: memref<50x128xi32, #tpu.memory_space<vmem>>, %arg8: memref<1x128xi32, #tpu.memory_space<vmem>>, %arg9: memref<2x128x128xf32, #tpu.memory_space<vmem>>, %arg10: memref<2048x128xf32, #tpu.memory_space<vmem_shared>>, %arg11: memref<!tpu.dma_semaphore, #tpu.memory_space<semaphore_mem>>, %arg12: memref<!tpu.dma_semaphore, #tpu.memory_space<semaphore_mem>>) attributes {dimension_semantics = [#tpu.dimension_semantics<core_parallel>, #tpu.dimension_semantics<subcore_parallel>], iteration_bounds = array<i64: 2, 16>, scalar_prefetch = 0 : i64, scratch_operands = 6 : i64, tpu.core_type = #tpu.core_type<sc_vector_subcore>, window_params = [{transform_indices = #map}, {transform_indices = #map1}, {transform_indices = #map}, {transform_indices = #map}, {transform_indices = #map1}]} {
    %mul3A = arith.constant 2 : i32
    %mul3A_0 = arith.muli %arg1, %mul3A : i32
    %add3A = arith.addi %mul3A_0, %arg0 : i32
    "tpu.region"() ({
      %run_scoped3A_58 = tpu.sem_alloc : memref<!tpu.dma_semaphore, #tpu.memory_space<semaphore_mem>>
      %dma_start3A_59 = arith.constant 0 : i32
      %dma_start3A_60 = arith.constant 0 : i32
      %dma_start3A_61 = tpu.memref_slice %arg3[%dma_start3A_59, %add3A, %dma_start3A_60] : memref<50x32x128xi32, #tpu.memory_space<hbm>> -> memref<50x1x128xi32, #tpu.memory_space<hbm>>
      %dma_start3A_62 = tpu.memref_squeeze %dma_start3A_61 : memref<50x1x128xi32, #tpu.memory_space<hbm>> -> memref<50x128xi32, #tpu.memory_space<hbm>>
      %dma_start3A_63 = arith.constant 0 : i32
      %dma_start3A_64 = arith.constant 0 : i32
      %dma_start3A_65 = tpu.memref_slice %arg3[%dma_start3A_63, %add3A, %dma_start3A_64] : memref<50x32x128xi32, #tpu.memory_space<hbm>> -> memref<50x1x128xi32, #tpu.memory_space<hbm>>
      %dma_start3A_66 = tpu.memref_squeeze %dma_start3A_65 : memref<50x1x128xi32, #tpu.memory_space<hbm>> -> memref<50x128xi32, #tpu.memory_space<hbm>>
      tpu.enqueue_dma source(%dma_start3A_66 : memref<50x128xi32, #tpu.memory_space<hbm>>) target(%arg7 : memref<50x128xi32, #tpu.memory_space<vmem>>) target_semaphore(%run_scoped3A_58 : memref<!tpu.dma_semaphore, #tpu.memory_space<semaphore_mem>>)
      %dma_wait3A_67 = arith.constant 0 : i32
      %dma_wait3A_68 = arith.constant 0 : i32
      %dma_wait3A_69 = tpu.memref_slice %arg3[%dma_wait3A_67, %add3A, %dma_wait3A_68] : memref<50x32x128xi32, #tpu.memory_space<hbm>> -> memref<50x1x128xi32, #tpu.memory_space<hbm>>
      %dma_wait3A_70 = tpu.memref_squeeze %dma_wait3A_69 : memref<50x1x128xi32, #tpu.memory_space<hbm>> -> memref<50x128xi32, #tpu.memory_space<hbm>>
      %dma_wait3A_71 = arith.constant 0 : i32
      %dma_wait3A_72 = arith.constant 0 : i32
      %dma_wait3A_73 = tpu.memref_slice %arg3[%dma_wait3A_71, %add3A, %dma_wait3A_72] : memref<50x32x128xi32, #tpu.memory_space<hbm>> -> memref<50x1x128xi32, #tpu.memory_space<hbm>>
      %dma_wait3A_74 = tpu.memref_squeeze %dma_wait3A_73 : memref<50x1x128xi32, #tpu.memory_space<hbm>> -> memref<50x128xi32, #tpu.memory_space<hbm>>
      tpu.wait_dma2 semaphore(%run_scoped3A_58 : memref<!tpu.dma_semaphore, #tpu.memory_space<semaphore_mem>>) src(%dma_wait3A_74 : memref<50x128xi32, #tpu.memory_space<hbm>>) dst(%arg7 : memref<50x128xi32, #tpu.memory_space<vmem>>)
      tpu.yield
    }) : () -> ()
    "tpu.region"() ({
      %run_scoped3A_58 = tpu.sem_alloc : memref<!tpu.dma_semaphore, #tpu.memory_space<semaphore_mem>>
      %dma_start3A_59 = arith.constant 0 : i32
      %dma_start3A_60 = tpu.memref_slice %arg4[%arg1, %dma_start3A_59] : memref<16x128xi32, #tpu.memory_space<hbm>> -> memref<1x128xi32, #tpu.memory_space<hbm>>
      %dma_start3A_61 = arith.constant 0 : i32
      %dma_start3A_62 = tpu.memref_slice %arg4[%arg1, %dma_start3A_61] : memref<16x128xi32, #tpu.memory_space<hbm>> -> memref<1x128xi32, #tpu.memory_space<hbm>>
      tpu.enqueue_dma source(%dma_start3A_62 : memref<1x128xi32, #tpu.memory_space<hbm>>) target(%arg8 : memref<1x128xi32, #tpu.memory_space<vmem>>) target_semaphore(%run_scoped3A_58 : memref<!tpu.dma_semaphore, #tpu.memory_space<semaphore_mem>>)
      %dma_wait3A_63 = arith.constant 0 : i32
      %dma_wait3A_64 = tpu.memref_slice %arg4[%arg1, %dma_wait3A_63] : memref<16x128xi32, #tpu.memory_space<hbm>> -> memref<1x128xi32, #tpu.memory_space<hbm>>
      %dma_wait3A_65 = arith.constant 0 : i32
      %dma_wait3A_66 = tpu.memref_slice %arg4[%arg1, %dma_wait3A_65] : memref<16x128xi32, #tpu.memory_space<hbm>> -> memref<1x128xi32, #tpu.memory_space<hbm>>
      tpu.wait_dma2 semaphore(%run_scoped3A_58 : memref<!tpu.dma_semaphore, #tpu.memory_space<semaphore_mem>>) src(%dma_wait3A_66 : memref<1x128xi32, #tpu.memory_space<hbm>>) dst(%arg8 : memref<1x128xi32, #tpu.memory_space<vmem>>)
      tpu.yield
    }) : () -> ()
    %mul3A_1 = arith.constant 128 : i32
    %mul3A_2 = arith.muli %arg1, %mul3A_1 : i32
    "tpu.region"() ({
      %run_scoped3A_58 = tpu.sem_alloc : memref<!tpu.dma_semaphore, #tpu.memory_space<semaphore_mem>>
      %dma_start3A_59 = arith.constant 0 : i32
      %dma_start3A_60 = tpu.memref_slice %arg10[%mul3A_2, %dma_start3A_59] : memref<2048x128xf32, #tpu.memory_space<vmem_shared>> -> memref<128x128xf32, #tpu.memory_space<vmem_shared>>
      tpu.enqueue_dma source(%arg5 : memref<128x128xf32, #tpu.memory_space<hbm>>) target(%dma_start3A_60 : memref<128x128xf32, #tpu.memory_space<vmem_shared>>) target_semaphore(%run_scoped3A_58 : memref<!tpu.dma_semaphore, #tpu.memory_space<semaphore_mem>>)
      %dma_wait3A_61 = arith.constant 0 : i32
      %dma_wait3A_62 = tpu.memref_slice %arg10[%mul3A_2, %dma_wait3A_61] : memref<2048x128xf32, #tpu.memory_space<vmem_shared>> -> memref<128x128xf32, #tpu.memory_space<vmem_shared>>
      tpu.wait_dma2 semaphore(%run_scoped3A_58 : memref<!tpu.dma_semaphore, #tpu.memory_space<semaphore_mem>>) src(%arg5 : memref<128x128xf32, #tpu.memory_space<hbm>>) dst(%dma_wait3A_62 : memref<128x128xf32, #tpu.memory_space<vmem_shared>>)
      tpu.yield
    }) : () -> ()
    %dma_start3A = arith.constant 0 : i32
    %dma_start3A_3 = arith.constant 0 : i32
    %dma_start3A_4 = arith.constant 0 : i32
    %dma_start3A_5 = arith.constant 0 : i32
    %dma_start3A_6 = tpu.memref_slice %arg9[%dma_start3A_3, %dma_start3A_4, %dma_start3A_5] : memref<2x128x128xf32, #tpu.memory_space<vmem>> -> memref<1x128x128xf32, #tpu.memory_space<vmem>>
    %dma_start3A_7 = tpu.memref_squeeze %dma_start3A_6 : memref<1x128x128xf32, #tpu.memory_space<vmem>> -> memref<128x128xf32, #tpu.memory_space<vmem>>
    %dma_start3A_8 = arith.constant 0 : i32
    %dma_start3A_9 = tpu.memref_slice %arg7[%dma_start3A, %dma_start3A_8] : memref<50x128xi32, #tpu.memory_space<vmem>> -> memref<1x128xi32, #tpu.memory_space<vmem>>
    %dma_start3A_10 = tpu.memref_squeeze %dma_start3A_9 : memref<1x128xi32, #tpu.memory_space<vmem>> -> memref<128xi32, #tpu.memory_space<vmem>>
    %dma_start3A_11 = arith.constant 0 : i32
    %dma_start3A_12 = arith.constant 0 : i32
    %dma_start3A_13 = tpu.memref_slice %arg2[%dma_start3A_11, %dma_start3A_12] : memref<1000000x128xf32, #tpu.memory_space<hbm>> -> memref<1000000x128xf32, #tpu.memory_space<hbm>>
    tpu.enqueue_indirect_dma source(%dma_start3A_13 : memref<1000000x128xf32, #tpu.memory_space<hbm>>) target(%dma_start3A_7 : memref<128x128xf32, #tpu.memory_space<vmem>>) offsets(%dma_start3A_10 : memref<128xi32, #tpu.memory_space<vmem>>) semaphore(%arg11 : memref<!tpu.dma_semaphore, #tpu.memory_space<semaphore_mem>>)
    %dma_start3A_14 = arith.constant 1 : i32
    %dma_start3A_15 = arith.constant 1 : i32
    %dma_start3A_16 = arith.constant 0 : i32
    %dma_start3A_17 = arith.constant 0 : i32
    %dma_start3A_18 = tpu.memref_slice %arg9[%dma_start3A_15, %dma_start3A_16, %dma_start3A_17] : memref<2x128x128xf32, #tpu.memory_space<vmem>> -> memref<1x128x128xf32, #tpu.memory_space<vmem>>
    %dma_start3A_19 = tpu.memref_squeeze %dma_start3A_18 : memref<1x128x128xf32, #tpu.memory_space<vmem>> -> memref<128x128xf32, #tpu.memory_space<vmem>>
    %dma_start3A_20 = arith.constant 0 : i32
    %dma_start3A_21 = tpu.memref_slice %arg7[%dma_start3A_14, %dma_start3A_20] : memref<50x128xi32, #tpu.memory_space<vmem>> -> memref<1x128xi32, #tpu.memory_space<vmem>>
    %dma_start3A_22 = tpu.memref_squeeze %dma_start3A_21 : memref<1x128xi32, #tpu.memory_space<vmem>> -> memref<128xi32, #tpu.memory_space<vmem>>
    %dma_start3A_23 = arith.constant 0 : i32
    %dma_start3A_24 = arith.constant 0 : i32
    %dma_start3A_25 = tpu.memref_slice %arg2[%dma_start3A_23, %dma_start3A_24] : memref<1000000x128xf32, #tpu.memory_space<hbm>> -> memref<1000000x128xf32, #tpu.memory_space<hbm>>
    tpu.enqueue_indirect_dma source(%dma_start3A_25 : memref<1000000x128xf32, #tpu.memory_space<hbm>>) target(%dma_start3A_19 : memref<128x128xf32, #tpu.memory_space<vmem>>) offsets(%dma_start3A_22 : memref<128xi32, #tpu.memory_space<vmem>>) semaphore(%arg12 : memref<!tpu.dma_semaphore, #tpu.memory_space<semaphore_mem>>)
    %scan3A = arith.constant 0 : i32
    %scan3A_26 = arith.constant 24 : i32
    %scan3A_27 = arith.addi %scan3A, %scan3A_26 : i32
    %scan3A_28 = arith.constant 1 : i32
    scf.for %scan3A_58 = %scan3A to %scan3A_27 step %scan3A_28  : i32 {
      %mul3A_59 = arith.constant 2 : i32
      %mul3A_60 = arith.muli %scan3A_58, %mul3A_59 : i32
      %add3A_61 = arith.constant 0 : i32
      %add3A_62 = arith.addi %add3A_61, %mul3A_60 : i32
      %add3A_63 = arith.constant 0 : i32
      %add3A_64 = arith.addi %add3A_62, %add3A_63 : i32
      %dma_wait3A_65 = arith.constant 0 : i32
      %dma_wait3A_66 = arith.constant 0 : i32
      %dma_wait3A_67 = arith.constant 0 : i32
      %dma_wait3A_68 = tpu.memref_slice %arg9[%dma_wait3A_65, %dma_wait3A_66, %dma_wait3A_67] : memref<2x128x128xf32, #tpu.memory_space<vmem>> -> memref<1x128x128xf32, #tpu.memory_space<vmem>>
      %dma_wait3A_69 = tpu.memref_squeeze %dma_wait3A_68 : memref<1x128x128xf32, #tpu.memory_space<vmem>> -> memref<128x128xf32, #tpu.memory_space<vmem>>
      %dma_wait3A_70 = arith.constant 0 : i32
      %dma_wait3A_71 = tpu.memref_slice %arg7[%add3A_64, %dma_wait3A_70] : memref<50x128xi32, #tpu.memory_space<vmem>> -> memref<1x128xi32, #tpu.memory_space<vmem>>
      %dma_wait3A_72 = tpu.memref_squeeze %dma_wait3A_71 : memref<1x128xi32, #tpu.memory_space<vmem>> -> memref<128xi32, #tpu.memory_space<vmem>>
      %dma_wait3A_73 = arith.constant 0 : i32
      %dma_wait3A_74 = arith.constant 0 : i32
      %dma_wait3A_75 = tpu.memref_slice %arg2[%dma_wait3A_73, %dma_wait3A_74] : memref<1000000x128xf32, #tpu.memory_space<hbm>> -> memref<1000000x128xf32, #tpu.memory_space<hbm>>
      tpu.wait_indirect_dma semaphore(%arg11 : memref<!tpu.dma_semaphore, #tpu.memory_space<semaphore_mem>>) src(%dma_wait3A_75 : memref<1000000x128xf32, #tpu.memory_space<hbm>>) dst(%dma_wait3A_69 : memref<128x128xf32, #tpu.memory_space<vmem>>)
      %run_scoped3A_76 = arith.constant 0 : i32
      %run_scoped3A_77 = arith.constant 0 : i32
      "tpu.region"() ({
        %run_scoped3A_123 = tpu.sem_alloc : memref<!tpu.dma_semaphore, #tpu.memory_space<semaphore_mem>>
        %dma_start3A_124 = arith.constant 0 : i32
        %dma_start3A_125 = arith.constant 0 : i32
        %dma_start3A_126 = tpu.memref_slice %arg9[%run_scoped3A_76, %dma_start3A_124, %dma_start3A_125] : memref<2x128x128xf32, #tpu.memory_space<vmem>> -> memref<1x128x128xf32, #tpu.memory_space<vmem>>
        %dma_start3A_127 = tpu.memref_squeeze %dma_start3A_126 : memref<1x128x128xf32, #tpu.memory_space<vmem>> -> memref<128x128xf32, #tpu.memory_space<vmem>>
        %dma_start3A_128 = arith.constant 0 : i32
        %dma_start3A_129 = tpu.memref_slice %arg8[%run_scoped3A_77, %dma_start3A_128] : memref<1x128xi32, #tpu.memory_space<vmem>> -> memref<1x128xi32, #tpu.memory_space<vmem>>
        %dma_start3A_130 = tpu.memref_squeeze %dma_start3A_129 : memref<1x128xi32, #tpu.memory_space<vmem>> -> memref<128xi32, #tpu.memory_space<vmem>>
        %dma_start3A_131 = arith.constant 0 : i32
        %dma_start3A_132 = arith.constant 0 : i32
        %dma_start3A_133 = tpu.memref_slice %arg10[%dma_start3A_131, %dma_start3A_132] : memref<2048x128xf32, #tpu.memory_space<vmem_shared>> -> memref<2048x128xf32, #tpu.memory_space<vmem_shared>>
        tpu.enqueue_indirect_dma source(%dma_start3A_127 : memref<128x128xf32, #tpu.memory_space<vmem>>) target(%dma_start3A_133 : memref<2048x128xf32, #tpu.memory_space<vmem_shared>>) offsets(%dma_start3A_130 : memref<128xi32, #tpu.memory_space<vmem>>) semaphore(%run_scoped3A_123 : memref<!tpu.dma_semaphore, #tpu.memory_space<semaphore_mem>>) {add = true}
        %dma_wait3A_134 = arith.constant 0 : i32
        %dma_wait3A_135 = arith.constant 0 : i32
        %dma_wait3A_136 = tpu.memref_slice %arg9[%run_scoped3A_76, %dma_wait3A_134, %dma_wait3A_135] : memref<2x128x128xf32, #tpu.memory_space<vmem>> -> memref<1x128x128xf32, #tpu.memory_space<vmem>>
        %dma_wait3A_137 = tpu.memref_squeeze %dma_wait3A_136 : memref<1x128x128xf32, #tpu.memory_space<vmem>> -> memref<128x128xf32, #tpu.memory_space<vmem>>
        %dma_wait3A_138 = arith.constant 0 : i32
        %dma_wait3A_139 = tpu.memref_slice %arg8[%run_scoped3A_77, %dma_wait3A_138] : memref<1x128xi32, #tpu.memory_space<vmem>> -> memref<1x128xi32, #tpu.memory_space<vmem>>
        %dma_wait3A_140 = tpu.memref_squeeze %dma_wait3A_139 : memref<1x128xi32, #tpu.memory_space<vmem>> -> memref<128xi32, #tpu.memory_space<vmem>>
        %dma_wait3A_141 = arith.constant 0 : i32
        %dma_wait3A_142 = arith.constant 0 : i32
        %dma_wait3A_143 = tpu.memref_slice %arg10[%dma_wait3A_141, %dma_wait3A_142] : memref<2048x128xf32, #tpu.memory_space<vmem_shared>> -> memref<2048x128xf32, #tpu.memory_space<vmem_shared>>
        tpu.wait_indirect_dma semaphore(%run_scoped3A_123 : memref<!tpu.dma_semaphore, #tpu.memory_space<semaphore_mem>>) src(%dma_wait3A_137 : memref<128x128xf32, #tpu.memory_space<vmem>>) dst(%dma_wait3A_143 : memref<2048x128xf32, #tpu.memory_space<vmem_shared>>)
        tpu.yield
      }) : () -> ()
      %add3A_78 = arith.constant 0 : i32
      %add3A_79 = arith.addi %add3A_62, %add3A_78 : i32
      %add3A_80 = arith.constant 2 : i32
      %add3A_81 = arith.addi %add3A_79, %add3A_80 : i32
      %dma_start3A_82 = arith.constant 0 : i32
      %dma_start3A_83 = arith.constant 0 : i32
      %dma_start3A_84 = arith.constant 0 : i32
      %dma_start3A_85 = tpu.memref_slice %arg9[%dma_start3A_82, %dma_start3A_83, %dma_start3A_84] : memref<2x128x128xf32, #tpu.memory_space<vmem>> -> memref<1x128x128xf32, #tpu.memory_space<vmem>>
      %dma_start3A_86 = tpu.memref_squeeze %dma_start3A_85 : memref<1x128x128xf32, #tpu.memory_space<vmem>> -> memref<128x128xf32, #tpu.memory_space<vmem>>
      %dma_start3A_87 = arith.constant 0 : i32
      %dma_start3A_88 = tpu.memref_slice %arg7[%add3A_81, %dma_start3A_87] : memref<50x128xi32, #tpu.memory_space<vmem>> -> memref<1x128xi32, #tpu.memory_space<vmem>>
      %dma_start3A_89 = tpu.memref_squeeze %dma_start3A_88 : memref<1x128xi32, #tpu.memory_space<vmem>> -> memref<128xi32, #tpu.memory_space<vmem>>
      %dma_start3A_90 = arith.constant 0 : i32
      %dma_start3A_91 = arith.constant 0 : i32
      %dma_start3A_92 = tpu.memref_slice %arg2[%dma_start3A_90, %dma_start3A_91] : memref<1000000x128xf32, #tpu.memory_space<hbm>> -> memref<1000000x128xf32, #tpu.memory_space<hbm>>
      tpu.enqueue_indirect_dma source(%dma_start3A_92 : memref<1000000x128xf32, #tpu.memory_space<hbm>>) target(%dma_start3A_86 : memref<128x128xf32, #tpu.memory_space<vmem>>) offsets(%dma_start3A_89 : memref<128xi32, #tpu.memory_space<vmem>>) semaphore(%arg11 : memref<!tpu.dma_semaphore, #tpu.memory_space<semaphore_mem>>)
      %add3A_93 = arith.constant 1 : i32
      %add3A_94 = arith.addi %add3A_62, %add3A_93 : i32
      %dma_wait3A_95 = arith.constant 1 : i32
      %dma_wait3A_96 = arith.constant 0 : i32
      %dma_wait3A_97 = arith.constant 0 : i32
      %dma_wait3A_98 = tpu.memref_slice %arg9[%dma_wait3A_95, %dma_wait3A_96, %dma_wait3A_97] : memref<2x128x128xf32, #tpu.memory_space<vmem>> -> memref<1x128x128xf32, #tpu.memory_space<vmem>>
      %dma_wait3A_99 = tpu.memref_squeeze %dma_wait3A_98 : memref<1x128x128xf32, #tpu.memory_space<vmem>> -> memref<128x128xf32, #tpu.memory_space<vmem>>
      %dma_wait3A_100 = arith.constant 0 : i32
      %dma_wait3A_101 = tpu.memref_slice %arg7[%add3A_94, %dma_wait3A_100] : memref<50x128xi32, #tpu.memory_space<vmem>> -> memref<1x128xi32, #tpu.memory_space<vmem>>
      %dma_wait3A_102 = tpu.memref_squeeze %dma_wait3A_101 : memref<1x128xi32, #tpu.memory_space<vmem>> -> memref<128xi32, #tpu.memory_space<vmem>>
      %dma_wait3A_103 = arith.constant 0 : i32
      %dma_wait3A_104 = arith.constant 0 : i32
      %dma_wait3A_105 = tpu.memref_slice %arg2[%dma_wait3A_103, %dma_wait3A_104] : memref<1000000x128xf32, #tpu.memory_space<hbm>> -> memref<1000000x128xf32, #tpu.memory_space<hbm>>
      tpu.wait_indirect_dma semaphore(%arg12 : memref<!tpu.dma_semaphore, #tpu.memory_space<semaphore_mem>>) src(%dma_wait3A_105 : memref<1000000x128xf32, #tpu.memory_space<hbm>>) dst(%dma_wait3A_99 : memref<128x128xf32, #tpu.memory_space<vmem>>)
      %run_scoped3A_106 = arith.constant 1 : i32
      %run_scoped3A_107 = arith.constant 0 : i32
      "tpu.region"() ({
        %run_scoped3A_123 = tpu.sem_alloc : memref<!tpu.dma_semaphore, #tpu.memory_space<semaphore_mem>>
        %dma_start3A_124 = arith.constant 0 : i32
        %dma_start3A_125 = arith.constant 0 : i32
        %dma_start3A_126 = tpu.memref_slice %arg9[%run_scoped3A_106, %dma_start3A_124, %dma_start3A_125] : memref<2x128x128xf32, #tpu.memory_space<vmem>> -> memref<1x128x128xf32, #tpu.memory_space<vmem>>
        %dma_start3A_127 = tpu.memref_squeeze %dma_start3A_126 : memref<1x128x128xf32, #tpu.memory_space<vmem>> -> memref<128x128xf32, #tpu.memory_space<vmem>>
        %dma_start3A_128 = arith.constant 0 : i32
        %dma_start3A_129 = tpu.memref_slice %arg8[%run_scoped3A_107, %dma_start3A_128] : memref<1x128xi32, #tpu.memory_space<vmem>> -> memref<1x128xi32, #tpu.memory_space<vmem>>
        %dma_start3A_130 = tpu.memref_squeeze %dma_start3A_129 : memref<1x128xi32, #tpu.memory_space<vmem>> -> memref<128xi32, #tpu.memory_space<vmem>>
        %dma_start3A_131 = arith.constant 0 : i32
        %dma_start3A_132 = arith.constant 0 : i32
        %dma_start3A_133 = tpu.memref_slice %arg10[%dma_start3A_131, %dma_start3A_132] : memref<2048x128xf32, #tpu.memory_space<vmem_shared>> -> memref<2048x128xf32, #tpu.memory_space<vmem_shared>>
        tpu.enqueue_indirect_dma source(%dma_start3A_127 : memref<128x128xf32, #tpu.memory_space<vmem>>) target(%dma_start3A_133 : memref<2048x128xf32, #tpu.memory_space<vmem_shared>>) offsets(%dma_start3A_130 : memref<128xi32, #tpu.memory_space<vmem>>) semaphore(%run_scoped3A_123 : memref<!tpu.dma_semaphore, #tpu.memory_space<semaphore_mem>>) {add = true}
        %dma_wait3A_134 = arith.constant 0 : i32
        %dma_wait3A_135 = arith.constant 0 : i32
        %dma_wait3A_136 = tpu.memref_slice %arg9[%run_scoped3A_106, %dma_wait3A_134, %dma_wait3A_135] : memref<2x128x128xf32, #tpu.memory_space<vmem>> -> memref<1x128x128xf32, #tpu.memory_space<vmem>>
        %dma_wait3A_137 = tpu.memref_squeeze %dma_wait3A_136 : memref<1x128x128xf32, #tpu.memory_space<vmem>> -> memref<128x128xf32, #tpu.memory_space<vmem>>
        %dma_wait3A_138 = arith.constant 0 : i32
        %dma_wait3A_139 = tpu.memref_slice %arg8[%run_scoped3A_107, %dma_wait3A_138] : memref<1x128xi32, #tpu.memory_space<vmem>> -> memref<1x128xi32, #tpu.memory_space<vmem>>
        %dma_wait3A_140 = tpu.memref_squeeze %dma_wait3A_139 : memref<1x128xi32, #tpu.memory_space<vmem>> -> memref<128xi32, #tpu.memory_space<vmem>>
        %dma_wait3A_141 = arith.constant 0 : i32
        %dma_wait3A_142 = arith.constant 0 : i32
        %dma_wait3A_143 = tpu.memref_slice %arg10[%dma_wait3A_141, %dma_wait3A_142] : memref<2048x128xf32, #tpu.memory_space<vmem_shared>> -> memref<2048x128xf32, #tpu.memory_space<vmem_shared>>
        tpu.wait_indirect_dma semaphore(%run_scoped3A_123 : memref<!tpu.dma_semaphore, #tpu.memory_space<semaphore_mem>>) src(%dma_wait3A_137 : memref<128x128xf32, #tpu.memory_space<vmem>>) dst(%dma_wait3A_143 : memref<2048x128xf32, #tpu.memory_space<vmem_shared>>)
        tpu.yield
      }) : () -> ()
      %add3A_108 = arith.constant 1 : i32
      %add3A_109 = arith.addi %add3A_62, %add3A_108 : i32
      %add3A_110 = arith.constant 2 : i32
      %add3A_111 = arith.addi %add3A_109, %add3A_110 : i32
      %dma_start3A_112 = arith.constant 1 : i32
      %dma_start3A_113 = arith.constant 0 : i32
      %dma_start3A_114 = arith.constant 0 : i32
      %dma_start3A_115 = tpu.memref_slice %arg9[%dma_start3A_112, %dma_start3A_113, %dma_start3A_114] : memref<2x128x128xf32, #tpu.memory_space<vmem>> -> memref<1x128x128xf32, #tpu.memory_space<vmem>>
      %dma_start3A_116 = tpu.memref_squeeze %dma_start3A_115 : memref<1x128x128xf32, #tpu.memory_space<vmem>> -> memref<128x128xf32, #tpu.memory_space<vmem>>
      %dma_start3A_117 = arith.constant 0 : i32
      %dma_start3A_118 = tpu.memref_slice %arg7[%add3A_111, %dma_start3A_117] : memref<50x128xi32, #tpu.memory_space<vmem>> -> memref<1x128xi32, #tpu.memory_space<vmem>>
      %dma_start3A_119 = tpu.memref_squeeze %dma_start3A_118 : memref<1x128xi32, #tpu.memory_space<vmem>> -> memref<128xi32, #tpu.memory_space<vmem>>
      %dma_start3A_120 = arith.constant 0 : i32
      %dma_start3A_121 = arith.constant 0 : i32
      %dma_start3A_122 = tpu.memref_slice %arg2[%dma_start3A_120, %dma_start3A_121] : memref<1000000x128xf32, #tpu.memory_space<hbm>> -> memref<1000000x128xf32, #tpu.memory_space<hbm>>
      tpu.enqueue_indirect_dma source(%dma_start3A_122 : memref<1000000x128xf32, #tpu.memory_space<hbm>>) target(%dma_start3A_116 : memref<128x128xf32, #tpu.memory_space<vmem>>) offsets(%dma_start3A_119 : memref<128xi32, #tpu.memory_space<vmem>>) semaphore(%arg12 : memref<!tpu.dma_semaphore, #tpu.memory_space<semaphore_mem>>)
    }
    %scan3A_29 = arith.constant 24 : i32
    %dma_wait3A = arith.constant 48 : i32
    %dma_wait3A_30 = arith.constant 0 : i32
    %dma_wait3A_31 = arith.constant 0 : i32
    %dma_wait3A_32 = arith.constant 0 : i32
    %dma_wait3A_33 = tpu.memref_slice %arg9[%dma_wait3A_30, %dma_wait3A_31, %dma_wait3A_32] : memref<2x128x128xf32, #tpu.memory_space<vmem>> -> memref<1x128x128xf32, #tpu.memory_space<vmem>>
    %dma_wait3A_34 = tpu.memref_squeeze %dma_wait3A_33 : memref<1x128x128xf32, #tpu.memory_space<vmem>> -> memref<128x128xf32, #tpu.memory_space<vmem>>
    %dma_wait3A_35 = arith.constant 0 : i32
    %dma_wait3A_36 = tpu.memref_slice %arg7[%dma_wait3A, %dma_wait3A_35] : memref<50x128xi32, #tpu.memory_space<vmem>> -> memref<1x128xi32, #tpu.memory_space<vmem>>
    %dma_wait3A_37 = tpu.memref_squeeze %dma_wait3A_36 : memref<1x128xi32, #tpu.memory_space<vmem>> -> memref<128xi32, #tpu.memory_space<vmem>>
    %dma_wait3A_38 = arith.constant 0 : i32
    %dma_wait3A_39 = arith.constant 0 : i32
    %dma_wait3A_40 = tpu.memref_slice %arg2[%dma_wait3A_38, %dma_wait3A_39] : memref<1000000x128xf32, #tpu.memory_space<hbm>> -> memref<1000000x128xf32, #tpu.memory_space<hbm>>
    tpu.wait_indirect_dma semaphore(%arg11 : memref<!tpu.dma_semaphore, #tpu.memory_space<semaphore_mem>>) src(%dma_wait3A_40 : memref<1000000x128xf32, #tpu.memory_space<hbm>>) dst(%dma_wait3A_34 : memref<128x128xf32, #tpu.memory_space<vmem>>)
    %run_scoped3A = arith.constant 0 : i32
    %run_scoped3A_41 = arith.constant 0 : i32
    "tpu.region"() ({
      %run_scoped3A_58 = tpu.sem_alloc : memref<!tpu.dma_semaphore, #tpu.memory_space<semaphore_mem>>
      %dma_start3A_59 = arith.constant 0 : i32
      %dma_start3A_60 = arith.constant 0 : i32
      %dma_start3A_61 = tpu.memref_slice %arg9[%run_scoped3A, %dma_start3A_59, %dma_start3A_60] : memref<2x128x128xf32, #tpu.memory_space<vmem>> -> memref<1x128x128xf32, #tpu.memory_space<vmem>>
      %dma_start3A_62 = tpu.memref_squeeze %dma_start3A_61 : memref<1x128x128xf32, #tpu.memory_space<vmem>> -> memref<128x128xf32, #tpu.memory_space<vmem>>
      %dma_start3A_63 = arith.constant 0 : i32
      %dma_start3A_64 = tpu.memref_slice %arg8[%run_scoped3A_41, %dma_start3A_63] : memref<1x128xi32, #tpu.memory_space<vmem>> -> memref<1x128xi32, #tpu.memory_space<vmem>>
      %dma_start3A_65 = tpu.memref_squeeze %dma_start3A_64 : memref<1x128xi32, #tpu.memory_space<vmem>> -> memref<128xi32, #tpu.memory_space<vmem>>
      %dma_start3A_66 = arith.constant 0 : i32
      %dma_start3A_67 = arith.constant 0 : i32
      %dma_start3A_68 = tpu.memref_slice %arg10[%dma_start3A_66, %dma_start3A_67] : memref<2048x128xf32, #tpu.memory_space<vmem_shared>> -> memref<2048x128xf32, #tpu.memory_space<vmem_shared>>
      tpu.enqueue_indirect_dma source(%dma_start3A_62 : memref<128x128xf32, #tpu.memory_space<vmem>>) target(%dma_start3A_68 : memref<2048x128xf32, #tpu.memory_space<vmem_shared>>) offsets(%dma_start3A_65 : memref<128xi32, #tpu.memory_space<vmem>>) semaphore(%run_scoped3A_58 : memref<!tpu.dma_semaphore, #tpu.memory_space<semaphore_mem>>) {add = true}
      %dma_wait3A_69 = arith.constant 0 : i32
      %dma_wait3A_70 = arith.constant 0 : i32
      %dma_wait3A_71 = tpu.memref_slice %arg9[%run_scoped3A, %dma_wait3A_69, %dma_wait3A_70] : memref<2x128x128xf32, #tpu.memory_space<vmem>> -> memref<1x128x128xf32, #tpu.memory_space<vmem>>
      %dma_wait3A_72 = tpu.memref_squeeze %dma_wait3A_71 : memref<1x128x128xf32, #tpu.memory_space<vmem>> -> memref<128x128xf32, #tpu.memory_space<vmem>>
      %dma_wait3A_73 = arith.constant 0 : i32
      %dma_wait3A_74 = tpu.memref_slice %arg8[%run_scoped3A_41, %dma_wait3A_73] : memref<1x128xi32, #tpu.memory_space<vmem>> -> memref<1x128xi32, #tpu.memory_space<vmem>>
      %dma_wait3A_75 = tpu.memref_squeeze %dma_wait3A_74 : memref<1x128xi32, #tpu.memory_space<vmem>> -> memref<128xi32, #tpu.memory_space<vmem>>
      %dma_wait3A_76 = arith.constant 0 : i32
      %dma_wait3A_77 = arith.constant 0 : i32
      %dma_wait3A_78 = tpu.memref_slice %arg10[%dma_wait3A_76, %dma_wait3A_77] : memref<2048x128xf32, #tpu.memory_space<vmem_shared>> -> memref<2048x128xf32, #tpu.memory_space<vmem_shared>>
      tpu.wait_indirect_dma semaphore(%run_scoped3A_58 : memref<!tpu.dma_semaphore, #tpu.memory_space<semaphore_mem>>) src(%dma_wait3A_72 : memref<128x128xf32, #tpu.memory_space<vmem>>) dst(%dma_wait3A_78 : memref<2048x128xf32, #tpu.memory_space<vmem_shared>>)
      tpu.yield
    }) : () -> ()
    %dma_wait3A_42 = arith.constant 49 : i32
    %dma_wait3A_43 = arith.constant 1 : i32
    %dma_wait3A_44 = arith.constant 0 : i32
    %dma_wait3A_45 = arith.constant 0 : i32
    %dma_wait3A_46 = tpu.memref_slice %arg9[%dma_wait3A_43, %dma_wait3A_44, %dma_wait3A_45] : memref<2x128x128xf32, #tpu.memory_space<vmem>> -> memref<1x128x128xf32, #tpu.memory_space<vmem>>
    %dma_wait3A_47 = tpu.memref_squeeze %dma_wait3A_46 : memref<1x128x128xf32, #tpu.memory_space<vmem>> -> memref<128x128xf32, #tpu.memory_space<vmem>>
    %dma_wait3A_48 = arith.constant 0 : i32
    %dma_wait3A_49 = tpu.memref_slice %arg7[%dma_wait3A_42, %dma_wait3A_48] : memref<50x128xi32, #tpu.memory_space<vmem>> -> memref<1x128xi32, #tpu.memory_space<vmem>>
    %dma_wait3A_50 = tpu.memref_squeeze %dma_wait3A_49 : memref<1x128xi32, #tpu.memory_space<vmem>> -> memref<128xi32, #tpu.memory_space<vmem>>
    %dma_wait3A_51 = arith.constant 0 : i32
    %dma_wait3A_52 = arith.constant 0 : i32
    %dma_wait3A_53 = tpu.memref_slice %arg2[%dma_wait3A_51, %dma_wait3A_52] : memref<1000000x128xf32, #tpu.memory_space<hbm>> -> memref<1000000x128xf32, #tpu.memory_space<hbm>>
    tpu.wait_indirect_dma semaphore(%arg12 : memref<!tpu.dma_semaphore, #tpu.memory_space<semaphore_mem>>) src(%dma_wait3A_53 : memref<1000000x128xf32, #tpu.memory_space<hbm>>) dst(%dma_wait3A_47 : memref<128x128xf32, #tpu.memory_space<vmem>>)
    %run_scoped3A_54 = arith.constant 1 : i32
    %run_scoped3A_55 = arith.constant 0 : i32
    "tpu.region"() ({
      %run_scoped3A_58 = tpu.sem_alloc : memref<!tpu.dma_semaphore, #tpu.memory_space<semaphore_mem>>
      %dma_start3A_59 = arith.constant 0 : i32
      %dma_start3A_60 = arith.constant 0 : i32
      %dma_start3A_61 = tpu.memref_slice %arg9[%run_scoped3A_54, %dma_start3A_59, %dma_start3A_60] : memref<2x128x128xf32, #tpu.memory_space<vmem>> -> memref<1x128x128xf32, #tpu.memory_space<vmem>>
      %dma_start3A_62 = tpu.memref_squeeze %dma_start3A_61 : memref<1x128x128xf32, #tpu.memory_space<vmem>> -> memref<128x128xf32, #tpu.memory_space<vmem>>
      %dma_start3A_63 = arith.constant 0 : i32
      %dma_start3A_64 = tpu.memref_slice %arg8[%run_scoped3A_55, %dma_start3A_63] : memref<1x128xi32, #tpu.memory_space<vmem>> -> memref<1x128xi32, #tpu.memory_space<vmem>>
      %dma_start3A_65 = tpu.memref_squeeze %dma_start3A_64 : memref<1x128xi32, #tpu.memory_space<vmem>> -> memref<128xi32, #tpu.memory_space<vmem>>
      %dma_start3A_66 = arith.constant 0 : i32
      %dma_start3A_67 = arith.constant 0 : i32
      %dma_start3A_68 = tpu.memref_slice %arg10[%dma_start3A_66, %dma_start3A_67] : memref<2048x128xf32, #tpu.memory_space<vmem_shared>> -> memref<2048x128xf32, #tpu.memory_space<vmem_shared>>
      tpu.enqueue_indirect_dma source(%dma_start3A_62 : memref<128x128xf32, #tpu.memory_space<vmem>>) target(%dma_start3A_68 : memref<2048x128xf32, #tpu.memory_space<vmem_shared>>) offsets(%dma_start3A_65 : memref<128xi32, #tpu.memory_space<vmem>>) semaphore(%run_scoped3A_58 : memref<!tpu.dma_semaphore, #tpu.memory_space<semaphore_mem>>) {add = true}
      %dma_wait3A_69 = arith.constant 0 : i32
      %dma_wait3A_70 = arith.constant 0 : i32
      %dma_wait3A_71 = tpu.memref_slice %arg9[%run_scoped3A_54, %dma_wait3A_69, %dma_wait3A_70] : memref<2x128x128xf32, #tpu.memory_space<vmem>> -> memref<1x128x128xf32, #tpu.memory_space<vmem>>
      %dma_wait3A_72 = tpu.memref_squeeze %dma_wait3A_71 : memref<1x128x128xf32, #tpu.memory_space<vmem>> -> memref<128x128xf32, #tpu.memory_space<vmem>>
      %dma_wait3A_73 = arith.constant 0 : i32
      %dma_wait3A_74 = tpu.memref_slice %arg8[%run_scoped3A_55, %dma_wait3A_73] : memref<1x128xi32, #tpu.memory_space<vmem>> -> memref<1x128xi32, #tpu.memory_space<vmem>>
      %dma_wait3A_75 = tpu.memref_squeeze %dma_wait3A_74 : memref<1x128xi32, #tpu.memory_space<vmem>> -> memref<128xi32, #tpu.memory_space<vmem>>
      %dma_wait3A_76 = arith.constant 0 : i32
      %dma_wait3A_77 = arith.constant 0 : i32
      %dma_wait3A_78 = tpu.memref_slice %arg10[%dma_wait3A_76, %dma_wait3A_77] : memref<2048x128xf32, #tpu.memory_space<vmem_shared>> -> memref<2048x128xf32, #tpu.memory_space<vmem_shared>>
      tpu.wait_indirect_dma semaphore(%run_scoped3A_58 : memref<!tpu.dma_semaphore, #tpu.memory_space<semaphore_mem>>) src(%dma_wait3A_72 : memref<128x128xf32, #tpu.memory_space<vmem>>) dst(%dma_wait3A_78 : memref<2048x128xf32, #tpu.memory_space<vmem_shared>>)
      tpu.yield
    }) : () -> ()
    %mul3A_56 = arith.constant 128 : i32
    %mul3A_57 = arith.muli %arg1, %mul3A_56 : i32
    "tpu.region"() ({
      %run_scoped3A_58 = tpu.sem_alloc : memref<!tpu.dma_semaphore, #tpu.memory_space<semaphore_mem>>
      %dma_start3A_59 = arith.constant 0 : i32
      %dma_start3A_60 = arith.constant 0 : i32
      %dma_start3A_61 = tpu.memref_slice %arg6[%add3A, %dma_start3A_59, %dma_start3A_60] : memref<32x128x128xf32, #tpu.memory_space<hbm>> -> memref<1x128x128xf32, #tpu.memory_space<hbm>>
      %dma_start3A_62 = tpu.memref_squeeze %dma_start3A_61 : memref<1x128x128xf32, #tpu.memory_space<hbm>> -> memref<128x128xf32, #tpu.memory_space<hbm>>
      %dma_start3A_63 = arith.constant 0 : i32
      %dma_start3A_64 = tpu.memref_slice %arg10[%mul3A_57, %dma_start3A_63] : memref<2048x128xf32, #tpu.memory_space<vmem_shared>> -> memref<128x128xf32, #tpu.memory_space<vmem_shared>>
      tpu.enqueue_dma source(%dma_start3A_64 : memref<128x128xf32, #tpu.memory_space<vmem_shared>>) target(%dma_start3A_62 : memref<128x128xf32, #tpu.memory_space<hbm>>) target_semaphore(%run_scoped3A_58 : memref<!tpu.dma_semaphore, #tpu.memory_space<semaphore_mem>>)
      %dma_wait3A_65 = arith.constant 0 : i32
      %dma_wait3A_66 = arith.constant 0 : i32
      %dma_wait3A_67 = tpu.memref_slice %arg6[%add3A, %dma_wait3A_65, %dma_wait3A_66] : memref<32x128x128xf32, #tpu.memory_space<hbm>> -> memref<1x128x128xf32, #tpu.memory_space<hbm>>
      %dma_wait3A_68 = tpu.memref_squeeze %dma_wait3A_67 : memref<1x128x128xf32, #tpu.memory_space<hbm>> -> memref<128x128xf32, #tpu.memory_space<hbm>>
      %dma_wait3A_69 = arith.constant 0 : i32
      %dma_wait3A_70 = tpu.memref_slice %arg10[%mul3A_57, %dma_wait3A_69] : memref<2048x128xf32, #tpu.memory_space<vmem_shared>> -> memref<128x128xf32, #tpu.memory_space<vmem_shared>>
      tpu.wait_dma2 semaphore(%run_scoped3A_58 : memref<!tpu.dma_semaphore, #tpu.memory_space<semaphore_mem>>) src(%dma_wait3A_70 : memref<128x128xf32, #tpu.memory_space<vmem_shared>>) dst(%dma_wait3A_68 : memref<128x128xf32, #tpu.memory_space<hbm>>)
      tpu.yield
    }) : () -> ()
    return
  }
}

module attributes {stable_mosaic.version = 14 : i64} {
  func.func @body(%arg0: i32, %arg1: memref<512x128xf32, #tpu.memory_space<vmem>>, %arg2: memref<50x512xi32, #tpu.memory_space<vmem>>, %arg3: memref<1000x128xf32, #tpu.memory_space<vmem>>, %arg4: memref<1000x1xf32, #tpu.memory_space<vmem>>, %arg5: memref<1000x512xf32, #tpu.memory_space<vmem>>) attributes {dimension_semantics = [#tpu.dimension_semantics<arbitrary>], iteration_bounds = array<i64: 8>, scalar_prefetch = 0 : i64, scratch_operands = 0 : i64, tpu.core_type = #tpu.core_type<tc>, window_params = [{transform_indices = @transform_0, window_bounds = array<i64: 512, 128>}, {transform_indices = @transform_1, window_bounds = array<i64: 50, 512>}, {pipeline_mode = #tpu.pipeline_mode<synchronous>, transform_indices = @transform_2, window_bounds = array<i64: 1000, 128>}, {pipeline_mode = #tpu.pipeline_mode<synchronous>, transform_indices = @transform_3, window_bounds = array<i64: 1000, 1>}, {transform_indices = @transform_4, window_bounds = array<i64: 1000, 512>}]} {
    %get3A = arith.constant 0 : index
    %get3A_0 = arith.constant 0 : index
    %get3A_1 = vector.load %arg2[%get3A, %get3A_0] : memref<50x512xi32, #tpu.memory_space<vmem>>, vector<50x512xi32>
    %ne3A = arith.constant 0 : i32
    %ne3A_2 = vector.broadcast %ne3A : i32 to vector<50x512xi32>
    %ne3A_3 = arith.cmpi ne, %get3A_1, %ne3A_2 : vector<50x512xi32>
    %convert_element_type3A = arith.extui %ne3A_3 : vector<50x512xi1> to vector<50x512xi32>
    %convert_element_type3A_4 = arith.sitofp %convert_element_type3A : vector<50x512xi32> to vector<50x512xf32>
    %reduce_sum3A = arith.constant dense<0.000000e+00> : vector<512xf32>
    %reduce_sum3A_5 = vector.multi_reduction <add>, %convert_element_type3A_4, %reduce_sum3A [0] : vector<50x512xf32> to vector<512xf32>
    %broadcast_in_dim3A = vector.shape_cast %reduce_sum3A_5 : vector<512xf32> to vector<1x512xf32>
    %max3A = arith.constant 1.000000e+00 : f32
    %max3A_6 = vector.broadcast %max3A : f32 to vector<1x512xf32>
    %max3A_7 = arith.maximumf %broadcast_in_dim3A, %max3A_6 : vector<1x512xf32>
    %div3A = arith.constant 1.000000e+00 : f32
    %div3A_8 = vector.broadcast %div3A : f32 to vector<1x512xf32>
    %div3A_9 = arith.divf %div3A_8, %max3A_7 : vector<1x512xf32>
    %get3A_10 = arith.constant 0 : index
    %get3A_11 = arith.constant 0 : index
    %get3A_12 = vector.load %arg3[%get3A_10, %get3A_11] : memref<1000x128xf32, #tpu.memory_space<vmem>>, vector<1000x128xf32>
    %get3A_13 = arith.constant 0 : index
    %get3A_14 = arith.constant 0 : index
    %get3A_15 = vector.load %arg1[%get3A_13, %get3A_14] : memref<512x128xf32, #tpu.memory_space<vmem>>, vector<512x128xf32>
    %dot_general3A = arith.constant dense<0.000000e+00> : vector<1000x512xf32>
    %dot_general3A_16 = tpu.matmul %get3A_12, %get3A_15, %dot_general3A {dimension_numbers = #tpu.dot_dimension_numbers<[1], [1], [0], [0], [0, 0, 1, 0], [], []>, transpose_lhs_hint = false} : vector<1000x128xf32>, vector<512x128xf32>, vector<1000x512xf32> -> vector<1000x512xf32>
    %mul3A = vector.broadcast %div3A_9 : vector<1x512xf32> to vector<1000x512xf32>
    %mul3A_17 = arith.mulf %dot_general3A_16, %mul3A : vector<1000x512xf32>
    %get3A_18 = arith.constant 0 : index
    %get3A_19 = arith.constant 0 : index
    %get3A_20 = vector.load %arg4[%get3A_18, %get3A_19] : memref<1000x1xf32, #tpu.memory_space<vmem>>, vector<1000x1xf32>
    %add3A = vector.broadcast %get3A_20 : vector<1000x1xf32> to vector<1000x512xf32>
    %add3A_21 = arith.addf %mul3A_17, %add3A : vector<1000x512xf32>
    %swap3A = arith.constant 0 : index
    %swap3A_22 = arith.constant 0 : index
    %swap3A_23 = vector.load %arg5[%swap3A, %swap3A_22] : memref<1000x512xf32, #tpu.memory_space<vmem>>, vector<1000x512xf32>
    tpu.vector_store %arg5[%swap3A, %swap3A_22], %add3A_21 {strides = array<i32>} : memref<1000x512xf32, #tpu.memory_space<vmem>>, vector<1000x512xf32>,
    return
  }
  func.func @transform_0(%arg0: i32) -> (i32, i32) {
    %c0_i32 = arith.constant 0 : i32
    %c0_i32_0 = arith.constant 0 : i32
    return %arg0, %c0_i32 : i32, i32
  }
  func.func @transform_1(%arg0: i32) -> (i32, i32) {
    %c0_i32 = arith.constant 0 : i32
    %c0_i32_0 = arith.constant 0 : i32
    return %c0_i32, %arg0 : i32, i32
  }
  func.func @transform_2(%arg0: i32) -> (i32, i32) {
    %c0_i32 = arith.constant 0 : i32
    %c0_i32_0 = arith.constant 0 : i32
    %c0_i32_1 = arith.constant 0 : i32
    return %c0_i32, %c0_i32_0 : i32, i32
  }
  func.func @transform_3(%arg0: i32) -> (i32, i32) {
    %c0_i32 = arith.constant 0 : i32
    %c0_i32_0 = arith.constant 0 : i32
    %c0_i32_1 = arith.constant 0 : i32
    return %c0_i32, %c0_i32_0 : i32, i32
  }
  func.func @transform_4(%arg0: i32) -> (i32, i32) {
    %c0_i32 = arith.constant 0 : i32
    %c0_i32_0 = arith.constant 0 : i32
    return %c0_i32, %arg0 : i32, i32
  }
}

</mosaic_0001>

<sc_bundles>
// kernel: kernel.4.cloned.1.call-start
scs
__scs_entry_jumppad:
0x0: {  	(pc) =	sbr.rel $0x88, $3  }
0x1: {  	(tag) =	ssettag $0x0;
	lr =	simm.s32 $0x1  }
0x2: {  	[smem:$0x3F9D] =	sst lr;
	_ =	strace $0xD0000000  }
0x3: {  	_ = 	snop  }
0x4: {  	_ = 	snop  }
0x5: {  	_ = 	snop  }
0x6: {  	_ = 	snop  }
0x7: {  	_ = 	snop  }
__scs_overlays_trampoline_lowered:
0x8: {  	[smem:$0x3FAC] =	sst s0  }
0x9: {  	[smem:$0x3FAD] =	sst s1  }
0xa: {  	[smem:$0x3FAE] =	sst s2  }
0xb: {  	[smem:$0x3FAF] =	sst s3  }
0xc: {  	[smem:$0x3FB0] =	sst s4  }
0xd: {  	[smem:$0x3FB1] =	sst s5  }
0xe: {  	[smem:$0x3FB2] =	sst s6  }
0xf: {  	[smem:$0x3FB3] =	sst s7  }
0x10: {  	[smem:$0x3FB4] =	sst s8  }
0x11: {  	[smem:$0x3FB5] =	sst s9;
	s0 =	simm.s32 @!p0 $0x0  }
0x12: {  	s1 =	sld [smem:$0x3F9B];
	s0 =	simm.s32 @p0 $0x1  }
0x13: {  	[smem:$0x3FB6] =	sst s0;
	s0 =	simm.s32 @!p1 $0x0  }
0x14: {  	s2 =	sld [smem:$0x3F9A];
	s0 =	simm.s32 @p1 $0x1  }
0x15: {  	[smem:$0x3FB7] =	sst s0;
	s0 =	simm.s32 @!p2 $0x0  }
0x16: {  	s3 =	sld [smem:$0x3FDB];
	s0 =	simm.s32 @p2 $0x1  }
0x17: {  	s4 =	simm.s32 $0x1BF5;
	[smem:$0x3FB9] =	sst s0  }
0x18: {  	s0 =	sld [smem:$0x3F9C];
	_ =	swait.ge [sflag:s4], $0x0  }
0x19: {  	s7 =	sld [smem:$0x3F9D]  }
0x1a: {  	s8 =	sadd.s32 $0xFFFFE003, lr  }
0x1b: {  	s9 =	sadd.s32 $0xFFFFFEF7, lr;
	s5 =	simm.s32 $0xFFFFFFFF;
	p2 =	slt.u32 s8, $0xFFFFF086  }
0x1c: {  	p1 =	slt.u32 s9, $0xF7A;
	s5 =	simm.s32 @!p2 $0x0  }
0x1d: {  	s5 =	simm.s32 @p1 $0x1;
	p0 =	seq.s32 s7, s2  }
0x1e: {  	s7 =	smul.u32 @!p0 $0xF7A, s2;
	p2 =	seq.s32 @!p0 s5, $0x0  }
0x1f: {  	s9 =	smul.u32 $0xF7A, s1;
	s8 =	simm.s32 @!p0 $0x1BF5;
	p2 =	por !p2, p0  }
0x20: {  	[sflag:s8] =	ssyncset.s32 @!p0 $0xFFFFF086;
	s6 =	sadd.s32 @!p0 s3, s7;
	s7 =	simm.s32 @!p0 $0x108  }
0x21: {  	s3 =	sadd.s32 s3, s9;
	s6 =	sadd.s32 @!p0 $0x88, s6;
	s7 =	simm.s32 @p2 $0x1082  }
0x22: {  	[simem:s7], [sflag:s8] =	dma.local @!p0 [hbm:s6], $0xF7A  }
0x23: {  	s9 =	sor.u32 $0xD0000000, s2;
	s6 =	simm.s32 $0x108;
	_ =	swait.ge @!p0 [sflag:s8], $0x0  }
0x24: {  	s3 =	sadd.s32 $0x88, s3;
	s6 =	simm.s32 @!p1 $0x1082;
	[sflag:s4] =	ssyncset.s32 $0xFFFFF086  }
0x25: {  	[simem:s6], [sflag:s4] =	dma.local [hbm:s3], $0xF7A  }
0x26: {  	[smem:$0x3F9D] =	sst s1;
	(tag) =	ssettag s2;
	_ =	strace s9  }
0x27: {  	s1 =	sld [smem:$0x3FAD]  }
0x28: {  	s2 =	sld [smem:$0x3FAE]  }
0x29: {  	s4 =	sld [smem:$0x3FB0]  }
0x2a: {  	p0 =	seq.s32 s5, $0x0;
	s5 =	sld [smem:$0x3FB1]  }
0x2b: {  	s6 =	sld [smem:$0x3FB2]  }
0x2c: {  	s7 =	sld [smem:$0x3FB3]  }
0x2d: {  	s3 =	simm.s32 $0x108;
	s8 =	sld [smem:$0x3FB4]  }
0x2e: {  	s3 =	simm.s32 @!p0 $0x1082;
	s9 =	sld [smem:$0x3FB5]  }
0x2f: {  	lr =	sadd.s32 s0, s3;
	s0 =	sld [smem:$0x3FAC]  }
0x30: {  	s3 =	sld [smem:$0x3FAF]  }
0x31: {  	[smem:$0x3FB8] =	sst s10  }
0x32: {  	s10 =	sld [smem:$0x3FB6];
	_ =	sdelay $0x3  }
0x33: {  	p0 =	seq.s32 s10, $0x1;
	s10 =	sld [smem:$0x3FB8];
	_ =	sdelay $0x3  }
0x34: {  	[smem:$0x3FB8] =	sst s10  }
0x35: {  	s10 =	sld [smem:$0x3FB7];
	_ =	sdelay $0x3  }
0x36: {  	p1 =	seq.s32 s10, $0x1;
	s10 =	sld [smem:$0x3FB8];
	_ =	sdelay $0x3  }
0x37: {  	[smem:$0x3FB8] =	sst s10  }
0x38: {  	s10 =	sld [smem:$0x3FB9]  }
0x39: {  	_ = 	snop;
	(pc) =	sbr.ind lr, $3  }
0x3a: {  	_ = 	snop  }
0x3b: {  	_ = 	snop  }
0x3c: {  	p2 =	seq.s32 s10, $0x1;
	s10 =	sld [smem:$0x3FB8]  }
0x3d: {  	_ =	shalt  }
0x3e: {  	_ =	shalt  }
0x3f: {  	_ =	shalt  }
0x40: {  	_ =	shalt  }
0x41: {  	_ =	shalt  }
0x42: {  	_ =	shalt  }
0x43: {  	_ =	shalt  }
0x44: {  	_ =	shalt  }
0x45: {  	_ =	shalt  }
0x46: {  	_ =	shalt  }
0x47: {  	_ =	shalt  }
0x48: {  	_ =	shalt  }
0x49: {  	_ =	shalt  }
0x4a: {  	_ =	shalt  }
0x4b: {  	_ =	shalt  }
0x4c: {  	_ =	shalt  }
0x4d: {  	_ =	shalt  }
0x4e: {  	_ =	shalt  }
0x4f: {  	_ =	shalt  }
0x50: {  	_ =	shalt  }
0x51: {  	_ =	shalt  }
0x52: {  	_ =	shalt  }
0x53: {  	_ =	shalt  }
0x54: {  	_ =	shalt  }
0x55: {  	_ =	shalt  }
0x56: {  	_ =	shalt  }
0x57: {  	_ =	shalt  }
0x58: {  	_ =	shalt  }
0x59: {  	_ =	shalt  }
0x5a: {  	_ =	shalt  }
0x5b: {  	_ =	shalt  }
0x5c: {  	_ =	shalt  }
0x5d: {  	_ =	shalt  }
0x5e: {  	_ =	shalt  }
0x5f: {  	_ =	shalt  }
0x60: {  	_ =	shalt  }
0x61: {  	_ =	shalt  }
0x62: {  	_ =	shalt  }
0x63: {  	_ =	shalt  }
0x64: {  	_ =	shalt  }
0x65: {  	_ =	shalt  }
0x66: {  	_ =	shalt  }
0x67: {  	_ =	shalt  }
0x68: {  	_ =	shalt  }
0x69: {  	_ =	shalt  }
0x6a: {  	_ =	shalt  }
0x6b: {  	_ =	shalt  }
0x6c: {  	_ =	shalt  }
0x6d: {  	_ =	shalt  }
0x6e: {  	_ =	shalt  }
0x6f: {  	_ =	shalt  }
0x70: {  	_ =	shalt  }
0x71: {  	_ =	shalt  }
0x72: {  	_ =	shalt  }
0x73: {  	_ =	shalt  }
0x74: {  	_ =	shalt  }
0x75: {  	_ =	shalt  }
0x76: {  	_ =	shalt  }
0x77: {  	_ =	shalt  }
0x78: {  	_ =	shalt  }
0x79: {  	_ =	shalt  }
0x7a: {  	_ =	shalt  }
0x7b: {  	_ =	shalt  }
0x7c: {  	_ =	shalt  }
0x7d: {  	_ =	shalt  }
0x7e: {  	_ =	shalt  }
0x7f: {  	_ =	shalt  }
0x80: {  	_ =	shalt  }
0x81: {  	_ =	shalt  }
0x82: {  	_ =	shalt  }
0x83: {  	_ =	shalt  }
0x84: {  	_ =	shalt  }
0x85: {  	_ =	shalt  }
0x86: {  	_ =	shalt  }
0x87: {  	_ =	shalt  }
.Lfunc_end0:
.L_simem_size_0:
called_computation_lowered:
.L_overlay_start_0:
0x88: {  	s2 =	sld [smem:$0x3FD9]  }
0x89: {  	s3 =	sld [smem:$0x3FFE];
	_ =	sdelay $0x1  }
0x8a: {  	s1 =	srdreg.scid  }
0x8b: {  	s0 =	sand.u32 $0x1, s1  }
0x8c: {  	s17 =	sshll.u32 s0, $0xA;
	s2 =	sadd.s32 s3, s2  }
0x8d: {  	s2 =	sadd.s32 s2, s17  }
0x8e: {  	[smem:$0x3FC4] =	sst s2  }
0x8f: {  	_ = 	snop  }
0x90: {  	s2 =	sld [smem:$0x3FC8]  }
0x91: {  	s18 =	sld [smem:$0x3FD0];
	(tm) =	ssettm $0x1  }
0x92: {  	s4 =	sld [smem:$0x3FFB];
	_ =	sdelay $0x3  }
0x93: {  	_ =	strace s4  }
0x94: {  	s4 =	sld [smem:$0x3FFC];
	_ =	sdelay $0x3  }
0x95: {  	_ =	strace s4  }
0x96: {  	s4 =	sld [smem:$0x3FFD];
	_ =	sdelay $0x3  }
0x97: {  	_ =	strace s4  }
0x98: {  	_ =	strace $0x8FFFFFFF  }
0x99: {  	s19 =	sld [smem:$0x3FDB];
	_ =	sdelay $0x1  }
0x9a: {  	s5 =	simm.s32 $_scs_section_size  }
0x9b: {  	s6 =	simm.s32 $_size__tile_overlayer_lowered;
	s7 =	simm.s32 $_tile_overlayer_lowered  }
0x9c: {  	s22 =	simm.s32 $0x1BFF;
	s21 =	sshll.u32 s7, $0x1;
	s4 =	sadd.s32 s5, s19  }
0x9d: {  	s8 =	simm.s32 $0x0;
	s20 =	sshll.u32 s6, $0x1;
	s6 =	sadd.s32 s21, s4  }
0x9e: {  	[timem:s8], [sflag:s22] =	dma.local [hbm:s6], s20  }
0x9f: {  	_ =	swait.ge [sflag:s22], s20  }
0xa0: {  	s5 =	ssub.s32 $0x0, s20;
	[sflag:s22] =	ssyncset.done $0x0  }
0xa1: {  	[sflag:s22] =	ssyncadd.s32 s5;
	_ =	sdelay $0x1  }
0xa2: {  	s23 =	simm.s32 $0x1B8B  }
0xa3: {  	_ =	swait.ge [sflag:s23], $0x1  }
0xa4: {  	[sflag:s23] =	ssyncset.done $0x0  }
0xa5: {  	s25 =	simm.s32 $0x1B8E;
	s24 =	sld [smem:$0x3FFE];
	[sflag:s23] =	ssyncadd.s32 $0xFFFFFFFF  }
0xa6: {  	s26 =	simm.s32 $execute0_lowered;
	[smem:$0x3FD2] =	sst s25  }
0xa7: {  	s6 =	sshll.u32 s26, $0x1;
	_ =	strace $0x80000046;
	[dreg:$0x1] =	wrdreg $0xFFFFFFFF  }
0xa8: {  	s28 =	simm.s32 $_size_execute0_lowered;
	s4 =	sadd.s32 s4, s6;
	[dreg:$0x0] =	wrdreg $0x0  }
0xa9: {  	s6 =	sshll.u32 s28, $0x1;
	[dreg:$0x2] =	wrdreg s4  }
0xaa: {  	[dreg:$0x3] =	wrdreg s6  }
0xab: {  	[dreg:$0x4] =	wrdreg $0xC0  }
0xac: {  	_ =	task [dreg:s8], $0x5FFFF  }
0xad: {  	[dreg:$0x1] =	wrdreg $0xFFFFFFFF  }
0xae: {  	[dreg:$0x0] =	wrdreg $0x60  }
0xaf: {  	[dreg:$0x2] =	wrdreg s2  }
0xb0: {  	[dreg:$0x3] =	wrdreg s24  }
0xb1: {  	[dreg:$0x4] =	wrdreg s18  }
0xb2: {  	[dreg:$0x5] =	wrdreg $0x9C800  }
0xb3: {  	[dreg:$0x6] =	wrdreg $0x9  }
0xb4: {  	_ =	task.clear_ibuf [dreg:s8], $0x7FFFF;
	_ =	strace $0x90000046  }
0xb5: {  	s29 =	simm.s32 $0x9;
	_ =	strace $0x80000048  }
0xb6: {  	_ =	swait.ge [sflag:s29], $0x1  }
0xb7: {  	[sflag:s29] =	ssyncadd.s32 $0xFFFFFFFF  }
0xb8: {  	_ =	strace $0x90000048  }
0xb9: {  	_ =	sfence  }
0xba: {  	s30 =	sld [smem:$0x0];
	_ =	sdelay $0x2  }
0xbb: {  	s31 =	sshll.u32 s1, $0xD;
	s1 =	sshrl.u32 s1, $0x2  }
0xbc: {  	s3 =	sand.u32 $0x4000, s31;
	s1 =	sadd.s32 s1, s30  }
0xbd: {  	s0 =	sor.u32 s3, s0;
	s1 =	sshll.u32 s1, $0x11  }
0xbe: {  	s0 =	sor.u32 s1, s0  }
0xbf: {  	s0 =	sadd.s32 $0x8F2B, s0  }
0xc0: {  	[sflag:s0] =	ssyncadd.remote.s32 $0x1  }
0xc1: {  	_ =	sfence.sel $0xFFFF  }
0xc2: {  	[dreg:$0x0] =	wrdreg $0xFFFFFFFF;
	(pc) =	sbr.abs _section_cstart, $3  }
0xc3: {  	[dreg:$0x1] =	wrdreg $0xFFFFFFFF  }
0xc4: {  	_ =	task.clear_ibuf [dreg:s8], $0x2FFFF;
	_ =	strace $0x9FFFFFFF  }
0xc5: {  	(tm) =	ssettm $0x7FFFFFFF  }
tec
execute0_lowered:
.L_overlay_start_1:
0x0: {  	(tag) =	ssettag $0x1  }
0x1: {  	s1 =	rddreg [dreg:$0x0]  }
0x2: {  	s5 =	rddreg [dreg:$0x1]  }
0x3: {  	s8 =	rddreg [dreg:$0x2]  }
0x4: {  	s3 =	rddreg [dreg:$0x3]  }
0x5: {  	s0 =	rddreg [dreg:$0x4];
	s4 =	simm.s32 $0x0;
	s6 =	srdreg.scid  }
0x6: {  	s2 =	stileid.u32;
	s12 =	simm.s32 $0x3;
	s13 =	simm.s32 $0x1C00  }
0x7: {  	s16 =	simm.s32 $0x1C80;
	s17 =	simm.s32 $0x5C80;
	s18 =	simm.s32 $0x1  }
0x8: {  	s19 =	simm.s32 $0x2;
	s20 =	simm.s32 $0x0;
	[smem:$0x7FF] =	sst s4  }
0x9: {  	s6 =	sand.u32 $0x1, s6;
	s7 =	sshll.u32 s2, $0x1;
	s10 =	sshll.u32 s2, $0x4  }
0xa: {  	s31 =	sshll.u32 s2, $0xE;
	s14 =	sshll.u32 s2, $0x6;
	_ =	strace $0x80000047  }
0xb: {  	s9 =	sor.u32 s6, s7;
	s6 =	ssub.s32 $0x2, s6;
	s10 =	sadd.s32 s10, s5  }
0xc: {  	s15 =	sadd.s32 s31, s3;
	s14 =	sor.u32 $0x1C03, s14;
	s7 =	sshll.u32 s9, $0x4  }
0xd: {  	s11 =	sshrl.u32 s6, $0x1;
	s9 =	sshll.u32 s9, $0xB;
	s15 =	sshrl.u32 s15, $0x3  }
0xe: {  	s7 =	sadd.s32 s7, s5;
	s5 =	sadd.s32 $0x7200, s5;
	s11 =	ssub.s32 s6, s11  }
0xf: {  	s8 =	sadd.s32 s8, s9;
	s6 =	sadd.s32 $0xE00, s7;
	s7 =	sadd.s32 $0xC00, s10  }
0x10: {  	s9 =	smax.u32 s11, $0x1;
	s10 =	simm.s32 $0x80;
	s11 =	simm.s32 $0x1000  }
.LBB2_1:
0x11: {  	[tilespmem:s4], [sflag:$0x3] =	stream.strided.gather [hbm4b:s6+s10], $0x1900, s11, s10, $0x38;
	[tilespmem:$0xDC80] =	vst v63  }
0x12: {  	_ =	swait.ge [sflag:s12], $0x1900  }
0x13: {  	[sflag:s12] =	ssyncset.done $0x0  }
0x14: {  	[sflag:s12] =	ssyncadd.s32 $0xFFFFE700  }
0x15: {  	[tilespmem:s13], [sflag:$0x3] =	stream.linear.gather [hbm4b:s7+s4], $0x80, $0x38;
	[tilespmem:$0xDC80] =	vst v63  }
0x16: {  	_ =	swait.ge [sflag:s12], $0x80  }
0x17: {  	[sflag:s12] =	ssyncset.done $0x0  }
0x18: {  	[sflag:s12] =	ssyncadd.s32 $0xFFFFFF80  }
0x19: {  	[spmem:s15], [sflag:s14] =	dma.local [hbm:s5], $0x800  }
0x1a: {  	_ =	swait.ge [sflag:s12], $0x800  }
0x1b: {  	[sflag:s12] =	ssyncset.done $0x0  }
0x1c: {  	[sflag:s12] =	ssyncadd.s32 $0xFFFFF800  }
0x1d: {  	[tilespmem:s16], [sflag:$0x1] =	stream.indirect.gather [hbm4b:s1+s10], $0x80, s4, s10, $0xb8;
	[tilespmem:$0xDC80] =	vst v63  }
0x1e: {  	_ = 	snop  }
0x1f: {  	[tilespmem:s17], [sflag:$0x2] =	stream.indirect.gather [hbm4b:s1+s10], $0x80, s10, s10, $0xb8;
	[tilespmem:$0xDC80] =	vst v63  }
0x20: {  	_ =	swait.ge [sflag:s18], $0x4000  }
0x21: {  	[sflag:s18] =	ssyncset.done $0x0  }
0x22: {  	[sflag:s18] =	ssyncadd.s32 $0xFFFFC000  }
0x23: {  	[spmem:s3] =	stream.indirect.scatter.add.f32 [tilespmem:s16], [sflag:$0x3], $0x80, s13, s10, $0xb8;
	[tilespmem:$0xDC80] =	vst v63  }
0x24: {  	_ =	swait.ge [sflag:s12], $0x4000  }
0x25: {  	[sflag:s12] =	ssyncset.done $0x0  }
0x26: {  	s21 =	simm.s32 $0x100;
	[sflag:s12] =	ssyncadd.s32 $0xFFFFC000  }
0x27: {  	[tilespmem:s16], [sflag:$0x1] =	stream.indirect.gather [hbm4b:s1+s10], $0x80, s21, s10, $0xb8;
	[tilespmem:$0xDC80] =	vst v63  }
0x28: {  	_ =	swait.ge [sflag:s19], $0x4000  }
0x29: {  	[sflag:s19] =	ssyncset.done $0x0  }
0x2a: {  	[sflag:s19] =	ssyncadd.s32 $0xFFFFC000  }
0x2b: {  	[spmem:s3] =	stream.indirect.scatter.add.f32 [tilespmem:s17], [sflag:$0x3], $0x80, s13, s10, $0xb8;
	[tilespmem:$0xDC80] =	vst v63  }
0x2c: {  	_ =	swait.ge [sflag:s12], $0x4000  }
0x2d: {  	[sflag:s12] =	ssyncset.done $0x0  }
0x2e: {  	s22 =	simm.s32 $0x180;
	s21 =	simm.s32 $0xFFFFA400;
	[sflag:s12] =	ssyncadd.s32 $0xFFFFC000  }
.LBB2_2:
0x2f: {  	[tilespmem:s17], [sflag:$0x2] =	stream.indirect.gather [hbm4b:s1+s10], $0x80, s22, s10, $0xb8;
	[tilespmem:$0xDC80] =	vst v63  }
0x30: {  	s22 =	smov.u32 s21  }
0x31: {  	p0 =	sne.s32 s21, $0xFFFFFC00;
	s21 =	sadd.s32 $0x400, s21;
	_ =	swait.ge [sflag:s18], $0x4000  }
0x32: {  	[sflag:s18] =	ssyncset.done $0x0  }
0x33: {  	[sflag:s18] =	ssyncadd.s32 $0xFFFFC000  }
0x34: {  	[spmem:s3] =	stream.indirect.scatter.add.f32 [tilespmem:s16], [sflag:$0x3], $0x80, s13, s10, $0xb8;
	[tilespmem:$0xDC80] =	vst v63  }
0x35: {  	_ =	swait.ge [sflag:s12], $0x4000  }
0x36: {  	s22 =	sshra.s32 s22, $0x2;
	[sflag:s12] =	ssyncset.done $0x0  }
0x37: {  	s23 =	sadd.s32 $0x1900, s22;
	[sflag:s12] =	ssyncadd.s32 $0xFFFFC000  }
0x38: {  	[tilespmem:s16], [sflag:$0x1] =	stream.indirect.gather [hbm4b:s1+s10], $0x80, s23, s10, $0xb8;
	[tilespmem:$0xDC80] =	vst v63  }
0x39: {  	_ =	swait.ge [sflag:s19], $0x4000  }
0x3a: {  	[sflag:s19] =	ssyncset.done $0x0  }
.Ltmp0:
0x3b: {  	[sflag:s19] =	ssyncadd.s32 $0xFFFFC000;
	(pc) =	sbr.rel @p0 .LBB2_2-.Ltmp0, $4  }
0x3c: {  	[spmem:s3] =	stream.indirect.scatter.add.f32 [tilespmem:s17], [sflag:$0x3], $0x80, s13, s10, $0xb8;
	[tilespmem:$0xDC80] =	vst v63  }
0x3d: {  	_ =	swait.ge [sflag:s12], $0x4000  }
0x3e: {  	[sflag:s12] =	ssyncset.done $0x0  }
0x3f: {  	s22 =	sadd.s32 $0x1980, s22;
	[sflag:s12] =	ssyncadd.s32 $0xFFFFC000  }
0x40: {  	[tilespmem:s17], [sflag:$0x2] =	stream.indirect.gather [hbm4b:s1+s10], $0x80, s22, s10, $0xb8;
	[tilespmem:$0xDC80] =	vst v63  }
0x41: {  	_ =	swait.ge [sflag:s18], $0x4000  }
0x42: {  	[sflag:s18] =	ssyncset.done $0x0  }
0x43: {  	[sflag:s18] =	ssyncadd.s32 $0xFFFFC000  }
0x44: {  	[spmem:s3] =	stream.indirect.scatter.add.f32 [tilespmem:s16], [sflag:$0x3], $0x80, s13, s10, $0xb8;
	[tilespmem:$0xDC80] =	vst v63  }
0x45: {  	_ =	swait.ge [sflag:s12], $0x4000  }
0x46: {  	[sflag:s12] =	ssyncset.done $0x0  }
0x47: {  	[sflag:s12] =	ssyncadd.s32 $0xFFFFC000  }
0x48: {  	_ =	swait.ge [sflag:s19], $0x4000  }
0x49: {  	[sflag:s19] =	ssyncset.done $0x0  }
0x4a: {  	[sflag:s19] =	ssyncadd.s32 $0xFFFFC000  }
0x4b: {  	[spmem:s3] =	stream.indirect.scatter.add.f32 [tilespmem:s17], [sflag:$0x3], $0x80, s13, s10, $0xb8;
	[tilespmem:$0xDC80] =	vst v63  }
0x4c: {  	s20 =	sadd.s32 $0x1, s20;
	_ =	swait.ge [sflag:s12], $0x4000  }
0x4d: {  	p0 =	sne.s32 s20, s9;
	[sflag:s12] =	ssyncset.done $0x0  }
.Ltmp1:
0x4e: {  	[sflag:s12] =	ssyncadd.s32 $0xFFFFC000;
	(pc) =	sbr.rel @p0 .LBB2_1-.Ltmp1, $4  }
0x4f: {  	[hbm:s8], [sflag:s14] =	dma.local [spmem:s15], $0x800  }
0x50: {  	_ =	swait.ge [sflag:s12], $0x800  }
0x51: {  	[sflag:s12] =	ssyncset.done $0x0  }
0x52: {  	[sflag:s12] =	ssyncadd.s32 $0xFFFFF800  }
0x53: {  	_ =	sfence.sel $0x180000  }
0x54: {  	[bflag:$0x0] =	sbarrier.arrive $0xFFFF  }
0x55: {  	p0 =	sne.s32 s2, $0x0;
	_ =	strace $0x90000047  }
0x56: {  	s0 =	sadd.s32 @!p0 $0x100000, s0;
	[bflag:$0x2] =	sbarrier.arrive $0xFFFF  }
0x57: {  	[sflag:s0] =	ssyncadd.tile.s32 @!p0 $0x1;
	_ =	shalt  }
.Lfunc_end2:
_tile_overlayer_lowered:
.L_overlay_start_2:
0x58: {  	(tag) =	ssettag $0x2  }
0x59: {  	s0 =	rddreg [dreg:$0x0];
	s2 =	stileid.u32  }
0x5a: {  	s1 =	rddreg [dreg:$0x1];
	p0 =	sne.s32 s2, $0x0  }
0x5b: {  	s3 =	rddreg [dreg:$0x2];
	[bflag:$0x3] =	sbarrier.arrive $0xFFFF;
	s2 =	simm.s32 @!p0 $0x1C03  }
0x5c: {  	[timem:s3], [sflag:s2] =	dma.local @!p0 [hbm:s0], s1  }
0x5d: {  	s0 =	simm.s32 @!p0 $0x3  }
0x5e: {  	_ =	swait.ge @!p0 [sflag:s0], s1  }
0x5f: {  	s1 =	ssub.s32 @!p0 $0x0, s1;
	[sflag:s0] =	ssyncset.done @!p0 $0x0  }
0x60: {  	[sflag:s0] =	ssyncadd.s32 @!p0 s1  }
0x61: {  	[bflag:$0x3] =	sbarrier.arrive $0xFFFF  }
0x62: {  	_ =	shalt  }

</sc_bundles>
